<compile_context>
chip_gen: v7x
topology: tpu7x:2x2x1
jax: 0.10.2.dev20260603
libtpu: 0.0.44.dev20260713+nightly
codegen_flags: <defaults>
</compile_context>

<pallas_src>
import jax
import jax.numpy as jnp
from jax import lax
from jax.experimental import pallas as pl
from jax.experimental.pallas import tpu as pltpu
from jax.experimental.pallas import tpu_sc as plsc

_B, _C, _H, _W, _K = 16, 8, 192, 192, 256
_HW = _H * _W
_NC, _NS, _L = 2, 16, 16
_NW = _NC * _NS
_PAIRS = _B * _K
_PPW = _PAIRS // _NW
_EPW = _PPW * _C
_CHUNK = 128
_NCHUNK = _EPW // _CHUNK


def _sc_body(out_flat, ind_flat, tgt_flat, msk_flat,
             red_out,
             ind_v, idx_v, pred_v, tgt_v, msk_v, res_v,
             gsem, csem):
    cid = lax.axis_index("c")
    sid = lax.axis_index("s")
    wid = sid * _NC + cid
    b = wid // (_K // _PPW)
    base = b * (_C * _HW)

    pltpu.sync_copy(ind_flat.at[pl.ds(wid * _PPW, _PPW)], ind_v)
    ct = pltpu.async_copy(tgt_flat.at[pl.ds(wid * _EPW, _EPW)], tgt_v, csem)
    cm = pltpu.async_copy(msk_flat.at[pl.ds(wid * _EPW, _EPW)], msk_v, csem)

    iota = lax.iota(jnp.int32, _L)
    c_off = (iota & 7) * _HW + base
    lo = iota < 8
    dnums = lax.GatherDimensionNumbers(
        offset_dims=(), collapsed_slice_dims=(0,), start_index_map=(0,))
    half = iota >> 3

    def build(u, carry):
        jv = ind_v[pl.ds(u * _L, _L)]
        for i in range(_L // 2):
            rep = lax.gather(jv, (half + 2 * i)[:, None], dnums,
                             slice_sizes=(1,),
                             mode=lax.GatherScatterMode.PROMISE_IN_BOUNDS)
            idx_v[pl.ds(u * (_L * 8) + i * _L, _L)] = rep + c_off
        return carry

    lax.fori_loop(0, _PPW // _L, build, 0)

    copies = [
        pltpu.async_copy(out_flat.at[idx_v.at[pl.ds(g * _CHUNK, _CHUNK)]],
                         pred_v.at[pl.ds(g * _CHUNK, _CHUNK)], gsem)
        for g in range(_NCHUNK)
    ]
    for cp in copies:
        cp.wait()
    ct.wait()
    cm.wait()

    def body(t, carry):
        acc_n, acc_d = carry
        p = pred_v[pl.ds(t * _L, _L)]
        tg = tgt_v[pl.ds(t * _L, _L)]
        m = msk_v[pl.ds(t * _L, _L)].astype(jnp.float32)
        return acc_n + jnp.abs(p * m - tg * m), acc_d + m

    zero = jnp.zeros((_L,), jnp.float32)
    acc_n, acc_d = lax.fori_loop(0, _EPW // _L, body, (zero, zero))

    rn = acc_n + lax.rev(acc_n, (0,))
    rd = acc_d + lax.rev(acc_d, (0,))
    res_v[...] = jnp.where(lo, rn, rd)
    pltpu.sync_copy(res_v, red_out.at[wid])


def kernel(output, mask, ind, target, deps):
    del deps
    out_flat = output.reshape(-1)
    ind_flat = ind.reshape(-1)
    tgt_flat = target.reshape(-1)
    msk_flat = mask.reshape(-1)

    mesh = plsc.VectorSubcoreMesh(core_axis_name="c", subcore_axis_name="s")
    red = pl.kernel(
        _sc_body,
        mesh=mesh,
        out_type=jax.ShapeDtypeStruct((_NW, _L), jnp.float32),
        scratch_types=[
            pltpu.VMEM((_PPW,), jnp.int32),
            pltpu.VMEM((_EPW,), jnp.int32),
            pltpu.VMEM((_EPW,), jnp.float32),
            pltpu.VMEM((_EPW,), jnp.float32),
            pltpu.VMEM((_EPW,), jnp.int32),
            pltpu.VMEM((_L,), jnp.float32),
            pltpu.SemaphoreType.DMA,
            pltpu.SemaphoreType.DMA,
        ],
    )(out_flat, ind_flat, tgt_flat, msk_flat)
    s = jnp.sum(red, axis=0)
    return jnp.sum(s[:8]) / (jnp.sum(s[8:]) + 0.0001)

# --- scband reference (transcript-rebuilt; emitter-appended) ---
"""Pipeline reference for scband-reg-weighted-l1-loss-30451318128889 (READ-ONLY COPY).

The authoritative reference and input builder live on the scoring server;
editing this copy changes nothing except your own understanding.
"""

import jax, jax.numpy as jnp
import numpy as np


def _transpose_and_gather_feat(feat, ind):
    B, C, H, W = feat.shape
    feat = jnp.transpose(feat, (0, 2, 3, 1)).reshape(B, H * W, C)
    idx = jnp.broadcast_to(ind[:, :, None], (B, ind.shape[1], C))
    return jnp.take_along_axis(feat, idx, axis=1)


def setup_inputs(seed: int = 0):
    key = jax.random.key(seed)
    k1, k2, k3, k4, k5 = jax.random.split(key, 5)
    B, C, H, W, K = 16, 8, 192, 192, 256
    output = jax.random.normal(k1, (B, C, H, W), dtype=jnp.float32)
    mask = jax.random.randint(k2, (B, K, C), 0, 2).astype(jnp.int32)
    ind = jax.random.randint(k3, (B, K), 0, H * W).astype(jnp.int32)
    target = jax.random.normal(k4, (B, K, C), dtype=jnp.float32)
    deps = jax.random.uniform(k5, (B, K, 1), dtype=jnp.float32) * 60.0
    return {"output": output, "mask": mask, "ind": ind, "target": target, "deps": deps}


def reference(output, mask, ind, target, deps):
    # depth transform (in-place in torch; value is not used by the returned loss,
    # but computed here for faithfulness to the original forward)
    dep = jnp.squeeze(deps, 2)
    dep = jnp.where(dep < 5, dep * 0.01, jnp.log10(jnp.maximum(dep - 4.0, 1e-12)) + 0.1)
    pred = _transpose_and_gather_feat(output, ind)
    m = mask.astype(jnp.float32)
    loss = jnp.abs(pred * m - target * m)
    loss = jnp.sum(loss, axis=2)
    loss = jnp.sum(loss)
    loss = loss / (jnp.sum(m) + 0.0001)
    return loss

if __name__ == "__main__":
    import jax
    _d = setup_inputs()
    print(jax.jit(kernel)(*tuple(_d.values())))

</pallas_src>

<mosaic_0001>
#map = affine_map<(d0, d1) -> (0)>
#map1 = affine_map<(d0, d1) -> (0, 0)>
module attributes {stable_mosaic.version = 14 : i64} {
  func.func @_sc_body(%arg0: i32, %arg1: i32, %arg2: memref<4718592xf32, #tpu.memory_space<hbm>>, %arg3: memref<4096xi32, #tpu.memory_space<hbm>>, %arg4: memref<32768xf32, #tpu.memory_space<hbm>>, %arg5: memref<32768xi32, #tpu.memory_space<hbm>>, %arg6: memref<32x16xf32, #tpu.memory_space<hbm>>, %arg7: memref<128xi32, #tpu.memory_space<vmem>>, %arg8: memref<1024xi32, #tpu.memory_space<vmem>>, %arg9: memref<1024xf32, #tpu.memory_space<vmem>>, %arg10: memref<1024xf32, #tpu.memory_space<vmem>>, %arg11: memref<1024xi32, #tpu.memory_space<vmem>>, %arg12: memref<16xf32, #tpu.memory_space<vmem>>, %arg13: memref<!tpu.dma_semaphore, #tpu.memory_space<semaphore_mem>>, %arg14: memref<!tpu.dma_semaphore, #tpu.memory_space<semaphore_mem>>) attributes {dimension_semantics = [#tpu.dimension_semantics<core_parallel>, #tpu.dimension_semantics<subcore_parallel>], iteration_bounds = array<i64: 2, 16>, scalar_prefetch = 0 : i64, scratch_operands = 8 : i64, tpu.core_type = #tpu.core_type<sc_vector_subcore>, window_params = [{transform_indices = #map}, {transform_indices = #map}, {transform_indices = #map}, {transform_indices = #map}, {transform_indices = #map1}]} {
    %mul3A = arith.constant 2 : i32
    %mul3A_0 = arith.muli %arg1, %mul3A : i32
    %add3A = arith.addi %mul3A_0, %arg0 : i32
    %jit3A = arith.constant 2 : i32
    %div3A = arith.divsi %add3A, %jit3A : i32
    %sign3A = arith.constant 0 : i32
    %sign3A_1 = arith.cmpi sgt, %add3A, %sign3A : i32
    %sign3A_2 = arith.extui %sign3A_1 : i1 to i32
    %sign3A_3 = arith.constant 0 : i32
    %sign3A_4 = arith.cmpi slt, %add3A, %sign3A_3 : i32
    %sign3A_5 = arith.extui %sign3A_4 : i1 to i32
    %sign3A_6 = arith.subi %sign3A_2, %sign3A_5 : i32
    %sign3A_7 = arith.constant 0 : i32
    %sign3A_8 = arith.cmpi sgt, %jit3A, %sign3A_7 : i32
    %sign3A_9 = arith.extui %sign3A_8 : i1 to i32
    %sign3A_10 = arith.constant 0 : i32
    %sign3A_11 = arith.cmpi slt, %jit3A, %sign3A_10 : i32
    %sign3A_12 = arith.extui %sign3A_11 : i1 to i32
    %sign3A_13 = arith.subi %sign3A_9, %sign3A_12 : i32
    %ne3A = arith.cmpi ne, %sign3A_6, %sign3A_13 : i32
    %rem3A = arith.remsi %add3A, %jit3A : i32
    %ne3A_14 = arith.constant 0 : i32
    %ne3A_15 = arith.cmpi ne, %rem3A, %ne3A_14 : i32
    %and3A = arith.andi %ne3A, %ne3A_15 : i1
    %sub3A = arith.constant 1 : i32
    %sub3A_16 = arith.subi %div3A, %sub3A : i32
    %select_n3A = arith.select %and3A, %sub3A_16, %div3A : i32
    %mul3A_17 = arith.constant 294912 : i32
    %mul3A_18 = arith.muli %select_n3A, %mul3A_17 : i32
    %mul3A_19 = arith.constant 128 : i32
    %mul3A_20 = arith.muli %add3A, %mul3A_19 : i32
    "tpu.region"() ({
      %run_scoped3A = tpu.sem_alloc : memref<!tpu.dma_semaphore, #tpu.memory_space<semaphore_mem>>
      %dma_start3A_166 = tpu.memref_slice %arg3[%mul3A_20] : memref<4096xi32, #tpu.memory_space<hbm>> -> memref<128xi32, #tpu.memory_space<hbm>>
      %dma_start3A_167 = tpu.memref_slice %arg3[%mul3A_20] : memref<4096xi32, #tpu.memory_space<hbm>> -> memref<128xi32, #tpu.memory_space<hbm>>
      tpu.enqueue_dma source(%dma_start3A_167 : memref<128xi32, #tpu.memory_space<hbm>>) target(%arg7 : memref<128xi32, #tpu.memory_space<vmem>>) target_semaphore(%run_scoped3A : memref<!tpu.dma_semaphore, #tpu.memory_space<semaphore_mem>>)
      %dma_wait3A_168 = tpu.memref_slice %arg3[%mul3A_20] : memref<4096xi32, #tpu.memory_space<hbm>> -> memref<128xi32, #tpu.memory_space<hbm>>
      %dma_wait3A_169 = tpu.memref_slice %arg3[%mul3A_20] : memref<4096xi32, #tpu.memory_space<hbm>> -> memref<128xi32, #tpu.memory_space<hbm>>
      tpu.wait_dma2 semaphore(%run_scoped3A : memref<!tpu.dma_semaphore, #tpu.memory_space<semaphore_mem>>) src(%dma_wait3A_169 : memref<128xi32, #tpu.memory_space<hbm>>) dst(%arg7 : memref<128xi32, #tpu.memory_space<vmem>>)
      tpu.yield
    }) : () -> ()
    %mul3A_21 = arith.constant 1024 : i32
    %mul3A_22 = arith.muli %add3A, %mul3A_21 : i32
    %dma_start3A = tpu.memref_slice %arg4[%mul3A_22] : memref<32768xf32, #tpu.memory_space<hbm>> -> memref<1024xf32, #tpu.memory_space<hbm>>
    %dma_start3A_23 = tpu.memref_slice %arg4[%mul3A_22] : memref<32768xf32, #tpu.memory_space<hbm>> -> memref<1024xf32, #tpu.memory_space<hbm>>
    tpu.enqueue_dma source(%dma_start3A_23 : memref<1024xf32, #tpu.memory_space<hbm>>) target(%arg10 : memref<1024xf32, #tpu.memory_space<vmem>>) target_semaphore(%arg14 : memref<!tpu.dma_semaphore, #tpu.memory_space<semaphore_mem>>)
    %mul3A_24 = arith.constant 1024 : i32
    %mul3A_25 = arith.muli %add3A, %mul3A_24 : i32
    %dma_start3A_26 = tpu.memref_slice %arg5[%mul3A_25] : memref<32768xi32, #tpu.memory_space<hbm>> -> memref<1024xi32, #tpu.memory_space<hbm>>
    %dma_start3A_27 = tpu.memref_slice %arg5[%mul3A_25] : memref<32768xi32, #tpu.memory_space<hbm>> -> memref<1024xi32, #tpu.memory_space<hbm>>
    tpu.enqueue_dma source(%dma_start3A_27 : memref<1024xi32, #tpu.memory_space<hbm>>) target(%arg11 : memref<1024xi32, #tpu.memory_space<vmem>>) target_semaphore(%arg14 : memref<!tpu.dma_semaphore, #tpu.memory_space<semaphore_mem>>)
    %iota3A = tpu.iota {dimensions = array<i32: 0>} : vector<16xi32>
    %and3A_28 = arith.constant 7 : i32
    %and3A_29 = vector.broadcast %and3A_28 : i32 to vector<16xi32>
    %and3A_30 = arith.andi %iota3A, %and3A_29 : vector<16xi32>
    %mul3A_31 = arith.constant 36864 : i32
    %mul3A_32 = vector.broadcast %mul3A_31 : i32 to vector<16xi32>
    %mul3A_33 = arith.muli %and3A_30, %mul3A_32 : vector<16xi32>
    %add3A_34 = vector.broadcast %mul3A_18 : i32 to vector<16xi32>
    %add3A_35 = arith.addi %mul3A_33, %add3A_34 : vector<16xi32>
    %lt3A = arith.constant 8 : i32
    %lt3A_36 = vector.broadcast %lt3A : i32 to vector<16xi32>
    %lt3A_37 = arith.cmpi slt, %iota3A, %lt3A_36 : vector<16xi32>
    %shift_right_arithmetic3A = arith.constant 3 : i32
    %shift_right_arithmetic3A_38 = vector.broadcast %shift_right_arithmetic3A : i32 to vector<16xi32>
    %shift_right_arithmetic3A_39 = arith.shrsi %iota3A, %shift_right_arithmetic3A_38 : vector<16xi32>
    %scan3A = arith.constant 0 : i32
    %scan3A_40 = arith.constant 0 : i32
    %scan3A_41 = arith.constant 8 : i32
    %scan3A_42 = arith.addi %scan3A_40, %scan3A_41 : i32
    %scan3A_43 = arith.constant 1 : i32
    scf.for %scan3A_166 = %scan3A_40 to %scan3A_42 step %scan3A_43  : i32 {
      %mul3A_167 = arith.constant 16 : i32
      %mul3A_168 = arith.muli %scan3A_166, %mul3A_167 : i32
      %get3A = arith.index_cast %mul3A_168 : i32 to index
      %get3A_169 = tpu.vector_load %arg7[%get3A] {strides = array<i32>} : memref<128xi32, #tpu.memory_space<vmem>>, vector<16xi32>,
      %get3A_170 = vector.shape_cast %get3A_169 : vector<16xi32> to vector<16xi32>
      %add3A_171 = arith.constant 0 : i32
      %add3A_172 = vector.broadcast %add3A_171 : i32 to vector<16xi32>
      %add3A_173 = arith.addi %shift_right_arithmetic3A_39, %add3A_172 : vector<16xi32>
      %broadcast_in_dim3A_174 = vector.shape_cast %add3A_173 : vector<16xi32> to vector<16x1xi32>
      %gather3A = vector.shape_cast %broadcast_in_dim3A_174 : vector<16x1xi32> to vector<16xi32>
      %gather3A_175 = tpu.dynamic_gather %get3A_170[%gather3A] in [0] : vector<16xi32>, vector<16xi32> -> vector<16xi32>
      %add3A_176 = arith.addi %gather3A_175, %add3A_35 : vector<16xi32>
      %mul3A_177 = arith.constant 128 : i32
      %mul3A_178 = arith.muli %scan3A_166, %mul3A_177 : i32
      %add3A_179 = arith.constant 0 : i32
      %add3A_180 = arith.addi %mul3A_178, %add3A_179 : i32
      %swap3A_181 = arith.index_cast %add3A_180 : i32 to index
      %swap3A_182 = tpu.vector_load %arg8[%swap3A_181] {strides = array<i32>} : memref<1024xi32, #tpu.memory_space<vmem>>, vector<16xi32>,
      %swap3A_183 = vector.shape_cast %swap3A_182 : vector<16xi32> to vector<16xi32>
      %swap3A_184 = vector.shape_cast %add3A_176 : vector<16xi32> to vector<16xi32>
      tpu.vector_store %arg8[%swap3A_181], %swap3A_184 {strides = array<i32>} : memref<1024xi32, #tpu.memory_space<vmem>>, vector<16xi32>,
      %add3A_185 = arith.constant 2 : i32
      %add3A_186 = vector.broadcast %add3A_185 : i32 to vector<16xi32>
      %add3A_187 = arith.addi %shift_right_arithmetic3A_39, %add3A_186 : vector<16xi32>
      %broadcast_in_dim3A_188 = vector.shape_cast %add3A_187 : vector<16xi32> to vector<16x1xi32>
      %gather3A_189 = vector.shape_cast %broadcast_in_dim3A_188 : vector<16x1xi32> to vector<16xi32>
      %gather3A_190 = tpu.dynamic_gather %get3A_170[%gather3A_189] in [0] : vector<16xi32>, vector<16xi32> -> vector<16xi32>
      %add3A_191 = arith.addi %gather3A_190, %add3A_35 : vector<16xi32>
      %mul3A_192 = arith.constant 128 : i32
      %mul3A_193 = arith.muli %scan3A_166, %mul3A_192 : i32
      %add3A_194 = arith.constant 16 : i32
      %add3A_195 = arith.addi %mul3A_193, %add3A_194 : i32
      %swap3A_196 = arith.index_cast %add3A_195 : i32 to index
      %swap3A_197 = tpu.vector_load %arg8[%swap3A_196] {strides = array<i32>} : memref<1024xi32, #tpu.memory_space<vmem>>, vector<16xi32>,
      %swap3A_198 = vector.shape_cast %swap3A_197 : vector<16xi32> to vector<16xi32>
      %swap3A_199 = vector.shape_cast %add3A_191 : vector<16xi32> to vector<16xi32>
      tpu.vector_store %arg8[%swap3A_196], %swap3A_199 {strides = array<i32>} : memref<1024xi32, #tpu.memory_space<vmem>>, vector<16xi32>,
      %add3A_200 = arith.constant 4 : i32
      %add3A_201 = vector.broadcast %add3A_200 : i32 to vector<16xi32>
      %add3A_202 = arith.addi %shift_right_arithmetic3A_39, %add3A_201 : vector<16xi32>
      %broadcast_in_dim3A_203 = vector.shape_cast %add3A_202 : vector<16xi32> to vector<16x1xi32>
      %gather3A_204 = vector.shape_cast %broadcast_in_dim3A_203 : vector<16x1xi32> to vector<16xi32>
      %gather3A_205 = tpu.dynamic_gather %get3A_170[%gather3A_204] in [0] : vector<16xi32>, vector<16xi32> -> vector<16xi32>
      %add3A_206 = arith.addi %gather3A_205, %add3A_35 : vector<16xi32>
      %mul3A_207 = arith.constant 128 : i32
      %mul3A_208 = arith.muli %scan3A_166, %mul3A_207 : i32
      %add3A_209 = arith.constant 32 : i32
      %add3A_210 = arith.addi %mul3A_208, %add3A_209 : i32
      %swap3A_211 = arith.index_cast %add3A_210 : i32 to index
      %swap3A_212 = tpu.vector_load %arg8[%swap3A_211] {strides = array<i32>} : memref<1024xi32, #tpu.memory_space<vmem>>, vector<16xi32>,
      %swap3A_213 = vector.shape_cast %swap3A_212 : vector<16xi32> to vector<16xi32>
      %swap3A_214 = vector.shape_cast %add3A_206 : vector<16xi32> to vector<16xi32>
      tpu.vector_store %arg8[%swap3A_211], %swap3A_214 {strides = array<i32>} : memref<1024xi32, #tpu.memory_space<vmem>>, vector<16xi32>,
      %add3A_215 = arith.constant 6 : i32
      %add3A_216 = vector.broadcast %add3A_215 : i32 to vector<16xi32>
      %add3A_217 = arith.addi %shift_right_arithmetic3A_39, %add3A_216 : vector<16xi32>
      %broadcast_in_dim3A_218 = vector.shape_cast %add3A_217 : vector<16xi32> to vector<16x1xi32>
      %gather3A_219 = vector.shape_cast %broadcast_in_dim3A_218 : vector<16x1xi32> to vector<16xi32>
      %gather3A_220 = tpu.dynamic_gather %get3A_170[%gather3A_219] in [0] : vector<16xi32>, vector<16xi32> -> vector<16xi32>
      %add3A_221 = arith.addi %gather3A_220, %add3A_35 : vector<16xi32>
      %mul3A_222 = arith.constant 128 : i32
      %mul3A_223 = arith.muli %scan3A_166, %mul3A_222 : i32
      %add3A_224 = arith.constant 48 : i32
      %add3A_225 = arith.addi %mul3A_223, %add3A_224 : i32
      %swap3A_226 = arith.index_cast %add3A_225 : i32 to index
      %swap3A_227 = tpu.vector_load %arg8[%swap3A_226] {strides = array<i32>} : memref<1024xi32, #tpu.memory_space<vmem>>, vector<16xi32>,
      %swap3A_228 = vector.shape_cast %swap3A_227 : vector<16xi32> to vector<16xi32>
      %swap3A_229 = vector.shape_cast %add3A_221 : vector<16xi32> to vector<16xi32>
      tpu.vector_store %arg8[%swap3A_226], %swap3A_229 {strides = array<i32>} : memref<1024xi32, #tpu.memory_space<vmem>>, vector<16xi32>,
      %add3A_230 = arith.constant 8 : i32
      %add3A_231 = vector.broadcast %add3A_230 : i32 to vector<16xi32>
      %add3A_232 = arith.addi %shift_right_arithmetic3A_39, %add3A_231 : vector<16xi32>
      %broadcast_in_dim3A_233 = vector.shape_cast %add3A_232 : vector<16xi32> to vector<16x1xi32>
      %gather3A_234 = vector.shape_cast %broadcast_in_dim3A_233 : vector<16x1xi32> to vector<16xi32>
      %gather3A_235 = tpu.dynamic_gather %get3A_170[%gather3A_234] in [0] : vector<16xi32>, vector<16xi32> -> vector<16xi32>
      %add3A_236 = arith.addi %gather3A_235, %add3A_35 : vector<16xi32>
      %mul3A_237 = arith.constant 128 : i32
      %mul3A_238 = arith.muli %scan3A_166, %mul3A_237 : i32
      %add3A_239 = arith.constant 64 : i32
      %add3A_240 = arith.addi %mul3A_238, %add3A_239 : i32
      %swap3A_241 = arith.index_cast %add3A_240 : i32 to index
      %swap3A_242 = tpu.vector_load %arg8[%swap3A_241] {strides = array<i32>} : memref<1024xi32, #tpu.memory_space<vmem>>, vector<16xi32>,
      %swap3A_243 = vector.shape_cast %swap3A_242 : vector<16xi32> to vector<16xi32>
      %swap3A_244 = vector.shape_cast %add3A_236 : vector<16xi32> to vector<16xi32>
      tpu.vector_store %arg8[%swap3A_241], %swap3A_244 {strides = array<i32>} : memref<1024xi32, #tpu.memory_space<vmem>>, vector<16xi32>,
      %add3A_245 = arith.constant 10 : i32
      %add3A_246 = vector.broadcast %add3A_245 : i32 to vector<16xi32>
      %add3A_247 = arith.addi %shift_right_arithmetic3A_39, %add3A_246 : vector<16xi32>
      %broadcast_in_dim3A_248 = vector.shape_cast %add3A_247 : vector<16xi32> to vector<16x1xi32>
      %gather3A_249 = vector.shape_cast %broadcast_in_dim3A_248 : vector<16x1xi32> to vector<16xi32>
      %gather3A_250 = tpu.dynamic_gather %get3A_170[%gather3A_249] in [0] : vector<16xi32>, vector<16xi32> -> vector<16xi32>
      %add3A_251 = arith.addi %gather3A_250, %add3A_35 : vector<16xi32>
      %mul3A_252 = arith.constant 128 : i32
      %mul3A_253 = arith.muli %scan3A_166, %mul3A_252 : i32
      %add3A_254 = arith.constant 80 : i32
      %add3A_255 = arith.addi %mul3A_253, %add3A_254 : i32
      %swap3A_256 = arith.index_cast %add3A_255 : i32 to index
      %swap3A_257 = tpu.vector_load %arg8[%swap3A_256] {strides = array<i32>} : memref<1024xi32, #tpu.memory_space<vmem>>, vector<16xi32>,
      %swap3A_258 = vector.shape_cast %swap3A_257 : vector<16xi32> to vector<16xi32>
      %swap3A_259 = vector.shape_cast %add3A_251 : vector<16xi32> to vector<16xi32>
      tpu.vector_store %arg8[%swap3A_256], %swap3A_259 {strides = array<i32>} : memref<1024xi32, #tpu.memory_space<vmem>>, vector<16xi32>,
      %add3A_260 = arith.constant 12 : i32
      %add3A_261 = vector.broadcast %add3A_260 : i32 to vector<16xi32>
      %add3A_262 = arith.addi %shift_right_arithmetic3A_39, %add3A_261 : vector<16xi32>
      %broadcast_in_dim3A_263 = vector.shape_cast %add3A_262 : vector<16xi32> to vector<16x1xi32>
      %gather3A_264 = vector.shape_cast %broadcast_in_dim3A_263 : vector<16x1xi32> to vector<16xi32>
      %gather3A_265 = tpu.dynamic_gather %get3A_170[%gather3A_264] in [0] : vector<16xi32>, vector<16xi32> -> vector<16xi32>
      %add3A_266 = arith.addi %gather3A_265, %add3A_35 : vector<16xi32>
      %mul3A_267 = arith.constant 128 : i32
      %mul3A_268 = arith.muli %scan3A_166, %mul3A_267 : i32
      %add3A_269 = arith.constant 96 : i32
      %add3A_270 = arith.addi %mul3A_268, %add3A_269 : i32
      %swap3A_271 = arith.index_cast %add3A_270 : i32 to index
      %swap3A_272 = tpu.vector_load %arg8[%swap3A_271] {strides = array<i32>} : memref<1024xi32, #tpu.memory_space<vmem>>, vector<16xi32>,
      %swap3A_273 = vector.shape_cast %swap3A_272 : vector<16xi32> to vector<16xi32>
      %swap3A_274 = vector.shape_cast %add3A_266 : vector<16xi32> to vector<16xi32>
      tpu.vector_store %arg8[%swap3A_271], %swap3A_274 {strides = array<i32>} : memref<1024xi32, #tpu.memory_space<vmem>>, vector<16xi32>,
      %add3A_275 = arith.constant 14 : i32
      %add3A_276 = vector.broadcast %add3A_275 : i32 to vector<16xi32>
      %add3A_277 = arith.addi %shift_right_arithmetic3A_39, %add3A_276 : vector<16xi32>
      %broadcast_in_dim3A_278 = vector.shape_cast %add3A_277 : vector<16xi32> to vector<16x1xi32>
      %gather3A_279 = vector.shape_cast %broadcast_in_dim3A_278 : vector<16x1xi32> to vector<16xi32>
      %gather3A_280 = tpu.dynamic_gather %get3A_170[%gather3A_279] in [0] : vector<16xi32>, vector<16xi32> -> vector<16xi32>
      %add3A_281 = arith.addi %gather3A_280, %add3A_35 : vector<16xi32>
      %mul3A_282 = arith.constant 128 : i32
      %mul3A_283 = arith.muli %scan3A_166, %mul3A_282 : i32
      %add3A_284 = arith.constant 112 : i32
      %add3A_285 = arith.addi %mul3A_283, %add3A_284 : i32
      %swap3A_286 = arith.index_cast %add3A_285 : i32 to index
      %swap3A_287 = tpu.vector_load %arg8[%swap3A_286] {strides = array<i32>} : memref<1024xi32, #tpu.memory_space<vmem>>, vector<16xi32>,
      %swap3A_288 = vector.shape_cast %swap3A_287 : vector<16xi32> to vector<16xi32>
      %swap3A_289 = vector.shape_cast %add3A_281 : vector<16xi32> to vector<16xi32>
      tpu.vector_store %arg8[%swap3A_286], %swap3A_289 {strides = array<i32>} : memref<1024xi32, #tpu.memory_space<vmem>>, vector<16xi32>,
    }
    %scan3A_44 = arith.constant 8 : i32
    %dma_start3A_45 = arith.constant 0 : i32
    %dma_start3A_46 = tpu.memref_slice %arg9[%dma_start3A_45] : memref<1024xf32, #tpu.memory_space<vmem>> -> memref<128xf32, #tpu.memory_space<vmem>>
    %dma_start3A_47 = arith.constant 0 : i32
    %dma_start3A_48 = tpu.memref_slice %arg8[%dma_start3A_47] : memref<1024xi32, #tpu.memory_space<vmem>> -> memref<128xi32, #tpu.memory_space<vmem>>
    %dma_start3A_49 = arith.constant 0 : i32
    %dma_start3A_50 = tpu.memref_slice %arg2[%dma_start3A_49] : memref<4718592xf32, #tpu.memory_space<hbm>> -> memref<4718592xf32, #tpu.memory_space<hbm>>
    tpu.enqueue_indirect_dma source(%dma_start3A_50 : memref<4718592xf32, #tpu.memory_space<hbm>>) target(%dma_start3A_46 : memref<128xf32, #tpu.memory_space<vmem>>) offsets(%dma_start3A_48 : memref<128xi32, #tpu.memory_space<vmem>>) semaphore(%arg13 : memref<!tpu.dma_semaphore, #tpu.memory_space<semaphore_mem>>)
    %dma_start3A_51 = arith.constant 128 : i32
    %dma_start3A_52 = tpu.memref_slice %arg9[%dma_start3A_51] : memref<1024xf32, #tpu.memory_space<vmem>> -> memref<128xf32, #tpu.memory_space<vmem>>
    %dma_start3A_53 = arith.constant 128 : i32
    %dma_start3A_54 = tpu.memref_slice %arg8[%dma_start3A_53] : memref<1024xi32, #tpu.memory_space<vmem>> -> memref<128xi32, #tpu.memory_space<vmem>>
    %dma_start3A_55 = arith.constant 0 : i32
    %dma_start3A_56 = tpu.memref_slice %arg2[%dma_start3A_55] : memref<4718592xf32, #tpu.memory_space<hbm>> -> memref<4718592xf32, #tpu.memory_space<hbm>>
    tpu.enqueue_indirect_dma source(%dma_start3A_56 : memref<4718592xf32, #tpu.memory_space<hbm>>) target(%dma_start3A_52 : memref<128xf32, #tpu.memory_space<vmem>>) offsets(%dma_start3A_54 : memref<128xi32, #tpu.memory_space<vmem>>) semaphore(%arg13 : memref<!tpu.dma_semaphore, #tpu.memory_space<semaphore_mem>>)
    %dma_start3A_57 = arith.constant 256 : i32
    %dma_start3A_58 = tpu.memref_slice %arg9[%dma_start3A_57] : memref<1024xf32, #tpu.memory_space<vmem>> -> memref<128xf32, #tpu.memory_space<vmem>>
    %dma_start3A_59 = arith.constant 256 : i32
    %dma_start3A_60 = tpu.memref_slice %arg8[%dma_start3A_59] : memref<1024xi32, #tpu.memory_space<vmem>> -> memref<128xi32, #tpu.memory_space<vmem>>
    %dma_start3A_61 = arith.constant 0 : i32
    %dma_start3A_62 = tpu.memref_slice %arg2[%dma_start3A_61] : memref<4718592xf32, #tpu.memory_space<hbm>> -> memref<4718592xf32, #tpu.memory_space<hbm>>
    tpu.enqueue_indirect_dma source(%dma_start3A_62 : memref<4718592xf32, #tpu.memory_space<hbm>>) target(%dma_start3A_58 : memref<128xf32, #tpu.memory_space<vmem>>) offsets(%dma_start3A_60 : memref<128xi32, #tpu.memory_space<vmem>>) semaphore(%arg13 : memref<!tpu.dma_semaphore, #tpu.memory_space<semaphore_mem>>)
    %dma_start3A_63 = arith.constant 384 : i32
    %dma_start3A_64 = tpu.memref_slice %arg9[%dma_start3A_63] : memref<1024xf32, #tpu.memory_space<vmem>> -> memref<128xf32, #tpu.memory_space<vmem>>
    %dma_start3A_65 = arith.constant 384 : i32
    %dma_start3A_66 = tpu.memref_slice %arg8[%dma_start3A_65] : memref<1024xi32, #tpu.memory_space<vmem>> -> memref<128xi32, #tpu.memory_space<vmem>>
    %dma_start3A_67 = arith.constant 0 : i32
    %dma_start3A_68 = tpu.memref_slice %arg2[%dma_start3A_67] : memref<4718592xf32, #tpu.memory_space<hbm>> -> memref<4718592xf32, #tpu.memory_space<hbm>>
    tpu.enqueue_indirect_dma source(%dma_start3A_68 : memref<4718592xf32, #tpu.memory_space<hbm>>) target(%dma_start3A_64 : memref<128xf32, #tpu.memory_space<vmem>>) offsets(%dma_start3A_66 : memref<128xi32, #tpu.memory_space<vmem>>) semaphore(%arg13 : memref<!tpu.dma_semaphore, #tpu.memory_space<semaphore_mem>>)
    %dma_start3A_69 = arith.constant 512 : i32
    %dma_start3A_70 = tpu.memref_slice %arg9[%dma_start3A_69] : memref<1024xf32, #tpu.memory_space<vmem>> -> memref<128xf32, #tpu.memory_space<vmem>>
    %dma_start3A_71 = arith.constant 512 : i32
    %dma_start3A_72 = tpu.memref_slice %arg8[%dma_start3A_71] : memref<1024xi32, #tpu.memory_space<vmem>> -> memref<128xi32, #tpu.memory_space<vmem>>
    %dma_start3A_73 = arith.constant 0 : i32
    %dma_start3A_74 = tpu.memref_slice %arg2[%dma_start3A_73] : memref<4718592xf32, #tpu.memory_space<hbm>> -> memref<4718592xf32, #tpu.memory_space<hbm>>
    tpu.enqueue_indirect_dma source(%dma_start3A_74 : memref<4718592xf32, #tpu.memory_space<hbm>>) target(%dma_start3A_70 : memref<128xf32, #tpu.memory_space<vmem>>) offsets(%dma_start3A_72 : memref<128xi32, #tpu.memory_space<vmem>>) semaphore(%arg13 : memref<!tpu.dma_semaphore, #tpu.memory_space<semaphore_mem>>)
    %dma_start3A_75 = arith.constant 640 : i32
    %dma_start3A_76 = tpu.memref_slice %arg9[%dma_start3A_75] : memref<1024xf32, #tpu.memory_space<vmem>> -> memref<128xf32, #tpu.memory_space<vmem>>
    %dma_start3A_77 = arith.constant 640 : i32
    %dma_start3A_78 = tpu.memref_slice %arg8[%dma_start3A_77] : memref<1024xi32, #tpu.memory_space<vmem>> -> memref<128xi32, #tpu.memory_space<vmem>>
    %dma_start3A_79 = arith.constant 0 : i32
    %dma_start3A_80 = tpu.memref_slice %arg2[%dma_start3A_79] : memref<4718592xf32, #tpu.memory_space<hbm>> -> memref<4718592xf32, #tpu.memory_space<hbm>>
    tpu.enqueue_indirect_dma source(%dma_start3A_80 : memref<4718592xf32, #tpu.memory_space<hbm>>) target(%dma_start3A_76 : memref<128xf32, #tpu.memory_space<vmem>>) offsets(%dma_start3A_78 : memref<128xi32, #tpu.memory_space<vmem>>) semaphore(%arg13 : memref<!tpu.dma_semaphore, #tpu.memory_space<semaphore_mem>>)
    %dma_start3A_81 = arith.constant 768 : i32
    %dma_start3A_82 = tpu.memref_slice %arg9[%dma_start3A_81] : memref<1024xf32, #tpu.memory_space<vmem>> -> memref<128xf32, #tpu.memory_space<vmem>>
    %dma_start3A_83 = arith.constant 768 : i32
    %dma_start3A_84 = tpu.memref_slice %arg8[%dma_start3A_83] : memref<1024xi32, #tpu.memory_space<vmem>> -> memref<128xi32, #tpu.memory_space<vmem>>
    %dma_start3A_85 = arith.constant 0 : i32
    %dma_start3A_86 = tpu.memref_slice %arg2[%dma_start3A_85] : memref<4718592xf32, #tpu.memory_space<hbm>> -> memref<4718592xf32, #tpu.memory_space<hbm>>
    tpu.enqueue_indirect_dma source(%dma_start3A_86 : memref<4718592xf32, #tpu.memory_space<hbm>>) target(%dma_start3A_82 : memref<128xf32, #tpu.memory_space<vmem>>) offsets(%dma_start3A_84 : memref<128xi32, #tpu.memory_space<vmem>>) semaphore(%arg13 : memref<!tpu.dma_semaphore, #tpu.memory_space<semaphore_mem>>)
    %dma_start3A_87 = arith.constant 896 : i32
    %dma_start3A_88 = tpu.memref_slice %arg9[%dma_start3A_87] : memref<1024xf32, #tpu.memory_space<vmem>> -> memref<128xf32, #tpu.memory_space<vmem>>
    %dma_start3A_89 = arith.constant 896 : i32
    %dma_start3A_90 = tpu.memref_slice %arg8[%dma_start3A_89] : memref<1024xi32, #tpu.memory_space<vmem>> -> memref<128xi32, #tpu.memory_space<vmem>>
    %dma_start3A_91 = arith.constant 0 : i32
    %dma_start3A_92 = tpu.memref_slice %arg2[%dma_start3A_91] : memref<4718592xf32, #tpu.memory_space<hbm>> -> memref<4718592xf32, #tpu.memory_space<hbm>>
    tpu.enqueue_indirect_dma source(%dma_start3A_92 : memref<4718592xf32, #tpu.memory_space<hbm>>) target(%dma_start3A_88 : memref<128xf32, #tpu.memory_space<vmem>>) offsets(%dma_start3A_90 : memref<128xi32, #tpu.memory_space<vmem>>) semaphore(%arg13 : memref<!tpu.dma_semaphore, #tpu.memory_space<semaphore_mem>>)
    %dma_wait3A = arith.constant 0 : i32
    %dma_wait3A_93 = tpu.memref_slice %arg9[%dma_wait3A] : memref<1024xf32, #tpu.memory_space<vmem>> -> memref<128xf32, #tpu.memory_space<vmem>>
    %dma_wait3A_94 = arith.constant 0 : i32
    %dma_wait3A_95 = tpu.memref_slice %arg8[%dma_wait3A_94] : memref<1024xi32, #tpu.memory_space<vmem>> -> memref<128xi32, #tpu.memory_space<vmem>>
    %dma_wait3A_96 = arith.constant 0 : i32
    %dma_wait3A_97 = tpu.memref_slice %arg2[%dma_wait3A_96] : memref<4718592xf32, #tpu.memory_space<hbm>> -> memref<4718592xf32, #tpu.memory_space<hbm>>
    tpu.wait_indirect_dma semaphore(%arg13 : memref<!tpu.dma_semaphore, #tpu.memory_space<semaphore_mem>>) src(%dma_wait3A_97 : memref<4718592xf32, #tpu.memory_space<hbm>>) dst(%dma_wait3A_93 : memref<128xf32, #tpu.memory_space<vmem>>)
    %dma_wait3A_98 = arith.constant 128 : i32
    %dma_wait3A_99 = tpu.memref_slice %arg9[%dma_wait3A_98] : memref<1024xf32, #tpu.memory_space<vmem>> -> memref<128xf32, #tpu.memory_space<vmem>>
    %dma_wait3A_100 = arith.constant 128 : i32
    %dma_wait3A_101 = tpu.memref_slice %arg8[%dma_wait3A_100] : memref<1024xi32, #tpu.memory_space<vmem>> -> memref<128xi32, #tpu.memory_space<vmem>>
    %dma_wait3A_102 = arith.constant 0 : i32
    %dma_wait3A_103 = tpu.memref_slice %arg2[%dma_wait3A_102] : memref<4718592xf32, #tpu.memory_space<hbm>> -> memref<4718592xf32, #tpu.memory_space<hbm>>
    tpu.wait_indirect_dma semaphore(%arg13 : memref<!tpu.dma_semaphore, #tpu.memory_space<semaphore_mem>>) src(%dma_wait3A_103 : memref<4718592xf32, #tpu.memory_space<hbm>>) dst(%dma_wait3A_99 : memref<128xf32, #tpu.memory_space<vmem>>)
    %dma_wait3A_104 = arith.constant 256 : i32
    %dma_wait3A_105 = tpu.memref_slice %arg9[%dma_wait3A_104] : memref<1024xf32, #tpu.memory_space<vmem>> -> memref<128xf32, #tpu.memory_space<vmem>>
    %dma_wait3A_106 = arith.constant 256 : i32
    %dma_wait3A_107 = tpu.memref_slice %arg8[%dma_wait3A_106] : memref<1024xi32, #tpu.memory_space<vmem>> -> memref<128xi32, #tpu.memory_space<vmem>>
    %dma_wait3A_108 = arith.constant 0 : i32
    %dma_wait3A_109 = tpu.memref_slice %arg2[%dma_wait3A_108] : memref<4718592xf32, #tpu.memory_space<hbm>> -> memref<4718592xf32, #tpu.memory_space<hbm>>
    tpu.wait_indirect_dma semaphore(%arg13 : memref<!tpu.dma_semaphore, #tpu.memory_space<semaphore_mem>>) src(%dma_wait3A_109 : memref<4718592xf32, #tpu.memory_space<hbm>>) dst(%dma_wait3A_105 : memref<128xf32, #tpu.memory_space<vmem>>)
    %dma_wait3A_110 = arith.constant 384 : i32
    %dma_wait3A_111 = tpu.memref_slice %arg9[%dma_wait3A_110] : memref<1024xf32, #tpu.memory_space<vmem>> -> memref<128xf32, #tpu.memory_space<vmem>>
    %dma_wait3A_112 = arith.constant 384 : i32
    %dma_wait3A_113 = tpu.memref_slice %arg8[%dma_wait3A_112] : memref<1024xi32, #tpu.memory_space<vmem>> -> memref<128xi32, #tpu.memory_space<vmem>>
    %dma_wait3A_114 = arith.constant 0 : i32
    %dma_wait3A_115 = tpu.memref_slice %arg2[%dma_wait3A_114] : memref<4718592xf32, #tpu.memory_space<hbm>> -> memref<4718592xf32, #tpu.memory_space<hbm>>
    tpu.wait_indirect_dma semaphore(%arg13 : memref<!tpu.dma_semaphore, #tpu.memory_space<semaphore_mem>>) src(%dma_wait3A_115 : memref<4718592xf32, #tpu.memory_space<hbm>>) dst(%dma_wait3A_111 : memref<128xf32, #tpu.memory_space<vmem>>)
    %dma_wait3A_116 = arith.constant 512 : i32
    %dma_wait3A_117 = tpu.memref_slice %arg9[%dma_wait3A_116] : memref<1024xf32, #tpu.memory_space<vmem>> -> memref<128xf32, #tpu.memory_space<vmem>>
    %dma_wait3A_118 = arith.constant 512 : i32
    %dma_wait3A_119 = tpu.memref_slice %arg8[%dma_wait3A_118] : memref<1024xi32, #tpu.memory_space<vmem>> -> memref<128xi32, #tpu.memory_space<vmem>>
    %dma_wait3A_120 = arith.constant 0 : i32
    %dma_wait3A_121 = tpu.memref_slice %arg2[%dma_wait3A_120] : memref<4718592xf32, #tpu.memory_space<hbm>> -> memref<4718592xf32, #tpu.memory_space<hbm>>
    tpu.wait_indirect_dma semaphore(%arg13 : memref<!tpu.dma_semaphore, #tpu.memory_space<semaphore_mem>>) src(%dma_wait3A_121 : memref<4718592xf32, #tpu.memory_space<hbm>>) dst(%dma_wait3A_117 : memref<128xf32, #tpu.memory_space<vmem>>)
    %dma_wait3A_122 = arith.constant 640 : i32
    %dma_wait3A_123 = tpu.memref_slice %arg9[%dma_wait3A_122] : memref<1024xf32, #tpu.memory_space<vmem>> -> memref<128xf32, #tpu.memory_space<vmem>>
    %dma_wait3A_124 = arith.constant 640 : i32
    %dma_wait3A_125 = tpu.memref_slice %arg8[%dma_wait3A_124] : memref<1024xi32, #tpu.memory_space<vmem>> -> memref<128xi32, #tpu.memory_space<vmem>>
    %dma_wait3A_126 = arith.constant 0 : i32
    %dma_wait3A_127 = tpu.memref_slice %arg2[%dma_wait3A_126] : memref<4718592xf32, #tpu.memory_space<hbm>> -> memref<4718592xf32, #tpu.memory_space<hbm>>
    tpu.wait_indirect_dma semaphore(%arg13 : memref<!tpu.dma_semaphore, #tpu.memory_space<semaphore_mem>>) src(%dma_wait3A_127 : memref<4718592xf32, #tpu.memory_space<hbm>>) dst(%dma_wait3A_123 : memref<128xf32, #tpu.memory_space<vmem>>)
    %dma_wait3A_128 = arith.constant 768 : i32
    %dma_wait3A_129 = tpu.memref_slice %arg9[%dma_wait3A_128] : memref<1024xf32, #tpu.memory_space<vmem>> -> memref<128xf32, #tpu.memory_space<vmem>>
    %dma_wait3A_130 = arith.constant 768 : i32
    %dma_wait3A_131 = tpu.memref_slice %arg8[%dma_wait3A_130] : memref<1024xi32, #tpu.memory_space<vmem>> -> memref<128xi32, #tpu.memory_space<vmem>>
    %dma_wait3A_132 = arith.constant 0 : i32
    %dma_wait3A_133 = tpu.memref_slice %arg2[%dma_wait3A_132] : memref<4718592xf32, #tpu.memory_space<hbm>> -> memref<4718592xf32, #tpu.memory_space<hbm>>
    tpu.wait_indirect_dma semaphore(%arg13 : memref<!tpu.dma_semaphore, #tpu.memory_space<semaphore_mem>>) src(%dma_wait3A_133 : memref<4718592xf32, #tpu.memory_space<hbm>>) dst(%dma_wait3A_129 : memref<128xf32, #tpu.memory_space<vmem>>)
    %dma_wait3A_134 = arith.constant 896 : i32
    %dma_wait3A_135 = tpu.memref_slice %arg9[%dma_wait3A_134] : memref<1024xf32, #tpu.memory_space<vmem>> -> memref<128xf32, #tpu.memory_space<vmem>>
    %dma_wait3A_136 = arith.constant 896 : i32
    %dma_wait3A_137 = tpu.memref_slice %arg8[%dma_wait3A_136] : memref<1024xi32, #tpu.memory_space<vmem>> -> memref<128xi32, #tpu.memory_space<vmem>>
    %dma_wait3A_138 = arith.constant 0 : i32
    %dma_wait3A_139 = tpu.memref_slice %arg2[%dma_wait3A_138] : memref<4718592xf32, #tpu.memory_space<hbm>> -> memref<4718592xf32, #tpu.memory_space<hbm>>
    tpu.wait_indirect_dma semaphore(%arg13 : memref<!tpu.dma_semaphore, #tpu.memory_space<semaphore_mem>>) src(%dma_wait3A_139 : memref<4718592xf32, #tpu.memory_space<hbm>>) dst(%dma_wait3A_135 : memref<128xf32, #tpu.memory_space<vmem>>)
    %dma_wait3A_140 = tpu.memref_slice %arg4[%mul3A_22] : memref<32768xf32, #tpu.memory_space<hbm>> -> memref<1024xf32, #tpu.memory_space<hbm>>
    %dma_wait3A_141 = tpu.memref_slice %arg4[%mul3A_22] : memref<32768xf32, #tpu.memory_space<hbm>> -> memref<1024xf32, #tpu.memory_space<hbm>>
    tpu.wait_dma2 semaphore(%arg14 : memref<!tpu.dma_semaphore, #tpu.memory_space<semaphore_mem>>) src(%dma_wait3A_141 : memref<1024xf32, #tpu.memory_space<hbm>>) dst(%arg10 : memref<1024xf32, #tpu.memory_space<vmem>>)
    %dma_wait3A_142 = tpu.memref_slice %arg5[%mul3A_25] : memref<32768xi32, #tpu.memory_space<hbm>> -> memref<1024xi32, #tpu.memory_space<hbm>>
    %dma_wait3A_143 = tpu.memref_slice %arg5[%mul3A_25] : memref<32768xi32, #tpu.memory_space<hbm>> -> memref<1024xi32, #tpu.memory_space<hbm>>
    tpu.wait_dma2 semaphore(%arg14 : memref<!tpu.dma_semaphore, #tpu.memory_space<semaphore_mem>>) src(%dma_wait3A_143 : memref<1024xi32, #tpu.memory_space<hbm>>) dst(%arg11 : memref<1024xi32, #tpu.memory_space<vmem>>)
    %broadcast_in_dim3A = arith.constant 0.000000e+00 : f32
    %broadcast_in_dim3A_144 = vector.broadcast %broadcast_in_dim3A : f32 to vector<16xf32>
    %scan3A_145 = arith.constant 0 : i32
    %scan3A_146 = arith.constant 64 : i32
    %scan3A_147 = arith.addi %scan3A_145, %scan3A_146 : i32
    %scan3A_148 = arith.constant 1 : i32
    %scan3A_149:2 = scf.for %scan3A_166 = %scan3A_145 to %scan3A_147 step %scan3A_148 iter_args(%scan3A_167 = %broadcast_in_dim3A_144, %scan3A_168 = %broadcast_in_dim3A_144) -> (vector<16xf32>, vector<16xf32>)  : i32 {
      %mul3A_169 = arith.constant 16 : i32
      %mul3A_170 = arith.muli %scan3A_166, %mul3A_169 : i32
      %get3A = arith.index_cast %mul3A_170 : i32 to index
      %get3A_171 = tpu.vector_load %arg9[%get3A] {strides = array<i32>} : memref<1024xf32, #tpu.memory_space<vmem>>, vector<16xf32>,
      %get3A_172 = vector.shape_cast %get3A_171 : vector<16xf32> to vector<16xf32>
      %mul3A_173 = arith.constant 16 : i32
      %mul3A_174 = arith.muli %scan3A_166, %mul3A_173 : i32
      %get3A_175 = arith.index_cast %mul3A_174 : i32 to index
      %get3A_176 = tpu.vector_load %arg10[%get3A_175] {strides = array<i32>} : memref<1024xf32, #tpu.memory_space<vmem>>, vector<16xf32>,
      %get3A_177 = vector.shape_cast %get3A_176 : vector<16xf32> to vector<16xf32>
      %mul3A_178 = arith.constant 16 : i32
      %mul3A_179 = arith.muli %scan3A_166, %mul3A_178 : i32
      %get3A_180 = arith.index_cast %mul3A_179 : i32 to index
      %get3A_181 = tpu.vector_load %arg11[%get3A_180] {strides = array<i32>} : memref<1024xi32, #tpu.memory_space<vmem>>, vector<16xi32>,
      %get3A_182 = vector.shape_cast %get3A_181 : vector<16xi32> to vector<16xi32>
      %convert_element_type3A = arith.sitofp %get3A_182 : vector<16xi32> to vector<16xf32>
      %mul3A_183 = arith.mulf %get3A_172, %convert_element_type3A : vector<16xf32>
      %mul3A_184 = arith.mulf %get3A_177, %convert_element_type3A : vector<16xf32>
      %sub3A_185 = arith.subf %mul3A_183, %mul3A_184 : vector<16xf32>
      %abs3A = math.absf %sub3A_185 : vector<16xf32>
      %add3A_186 = arith.addf %scan3A_167, %abs3A : vector<16xf32>
      %add3A_187 = arith.addf %scan3A_168, %convert_element_type3A : vector<16xf32>
      scf.yield %add3A_186, %add3A_187 : vector<16xf32>, vector<16xf32>
    }
    %scan3A_150 = arith.constant 64 : i32
    %rev3A = arith.constant 15 : i32
    %rev3A_151 = vector.broadcast %rev3A : i32 to vector<16xi32>
    %rev3A_152 = tpu.iota {dimensions = array<i32: 0>} : vector<16xi32>
    %rev3A_153 = arith.subi %rev3A_151, %rev3A_152 : vector<16xi32>
    %rev3A_154 = tpu.dynamic_gather %scan3A_149#0[%rev3A_153] in [0] : vector<16xf32>, vector<16xi32> -> vector<16xf32>
    %add3A_155 = arith.addf %scan3A_149#0, %rev3A_154 : vector<16xf32>
    %rev3A_156 = arith.constant 15 : i32
    %rev3A_157 = vector.broadcast %rev3A_156 : i32 to vector<16xi32>
    %rev3A_158 = tpu.iota {dimensions = array<i32: 0>} : vector<16xi32>
    %rev3A_159 = arith.subi %rev3A_157, %rev3A_158 : vector<16xi32>
    %rev3A_160 = tpu.dynamic_gather %scan3A_149#1[%rev3A_159] in [0] : vector<16xf32>, vector<16xi32> -> vector<16xf32>
    %add3A_161 = arith.addf %scan3A_149#1, %rev3A_160 : vector<16xf32>
    %select_n3A_162 = arith.select %lt3A_37, %add3A_155, %add3A_161 : vector<16xi1>, vector<16xf32>
    %swap3A = arith.constant 0 : index
    %swap3A_163 = tpu.vector_load %arg12[%swap3A] {strides = array<i32>} : memref<16xf32, #tpu.memory_space<vmem>>, vector<16xf32>,
    %swap3A_164 = vector.shape_cast %swap3A_163 : vector<16xf32> to vector<16xf32>
    %swap3A_165 = vector.shape_cast %select_n3A_162 : vector<16xf32> to vector<16xf32>
    tpu.vector_store %arg12[%swap3A], %swap3A_165 {strides = array<i32>} : memref<16xf32, #tpu.memory_space<vmem>>, vector<16xf32>,
    "tpu.region"() ({
      %run_scoped3A = tpu.sem_alloc : memref<!tpu.dma_semaphore, #tpu.memory_space<semaphore_mem>>
      %dma_start3A_166 = arith.constant 0 : i32
      %dma_start3A_167 = tpu.memref_slice %arg6[%add3A, %dma_start3A_166] : memref<32x16xf32, #tpu.memory_space<hbm>> -> memref<1x16xf32, #tpu.memory_space<hbm>>
      %dma_start3A_168 = tpu.memref_squeeze %dma_start3A_167 : memref<1x16xf32, #tpu.memory_space<hbm>> -> memref<16xf32, #tpu.memory_space<hbm>>
      %dma_start3A_169 = arith.constant 0 : i32
      %dma_start3A_170 = tpu.memref_slice %arg6[%add3A, %dma_start3A_169] : memref<32x16xf32, #tpu.memory_space<hbm>> -> memref<1x16xf32, #tpu.memory_space<hbm>>
      %dma_start3A_171 = tpu.memref_squeeze %dma_start3A_170 : memref<1x16xf32, #tpu.memory_space<hbm>> -> memref<16xf32, #tpu.memory_space<hbm>>
      tpu.enqueue_dma source(%arg12 : memref<16xf32, #tpu.memory_space<vmem>>) target(%dma_start3A_171 : memref<16xf32, #tpu.memory_space<hbm>>) target_semaphore(%run_scoped3A : memref<!tpu.dma_semaphore, #tpu.memory_space<semaphore_mem>>)
      %dma_wait3A_172 = arith.constant 0 : i32
      %dma_wait3A_173 = tpu.memref_slice %arg6[%add3A, %dma_wait3A_172] : memref<32x16xf32, #tpu.memory_space<hbm>> -> memref<1x16xf32, #tpu.memory_space<hbm>>
      %dma_wait3A_174 = tpu.memref_squeeze %dma_wait3A_173 : memref<1x16xf32, #tpu.memory_space<hbm>> -> memref<16xf32, #tpu.memory_space<hbm>>
      %dma_wait3A_175 = arith.constant 0 : i32
      %dma_wait3A_176 = tpu.memref_slice %arg6[%add3A, %dma_wait3A_175] : memref<32x16xf32, #tpu.memory_space<hbm>> -> memref<1x16xf32, #tpu.memory_space<hbm>>
      %dma_wait3A_177 = tpu.memref_squeeze %dma_wait3A_176 : memref<1x16xf32, #tpu.memory_space<hbm>> -> memref<16xf32, #tpu.memory_space<hbm>>
      tpu.wait_dma2 semaphore(%run_scoped3A : memref<!tpu.dma_semaphore, #tpu.memory_space<semaphore_mem>>) src(%arg12 : memref<16xf32, #tpu.memory_space<vmem>>) dst(%dma_wait3A_177 : memref<16xf32, #tpu.memory_space<hbm>>)
      tpu.yield
    }) : () -> ()
    return
  }
}

</mosaic_0001>

<sc_bundles>
// kernel: kernel.3.cloned.1.call-start
scs
__scs_entry_jumppad:
0x0: {  	(pc) =	sbr.rel $0x88, $3  }
0x1: {  	(tag) =	ssettag $0x0;
	lr =	simm.s32 $0x1  }
0x2: {  	[smem:$0x3F9D] =	sst lr;
	_ =	strace $0xD0000000  }
0x3: {  	_ = 	snop  }
0x4: {  	_ = 	snop  }
0x5: {  	_ = 	snop  }
0x6: {  	_ = 	snop  }
0x7: {  	_ = 	snop  }
__scs_overlays_trampoline_lowered:
0x8: {  	[smem:$0x3FAC] =	sst s0  }
0x9: {  	[smem:$0x3FAD] =	sst s1  }
0xa: {  	[smem:$0x3FAE] =	sst s2  }
0xb: {  	[smem:$0x3FAF] =	sst s3  }
0xc: {  	[smem:$0x3FB0] =	sst s4  }
0xd: {  	[smem:$0x3FB1] =	sst s5  }
0xe: {  	[smem:$0x3FB2] =	sst s6  }
0xf: {  	[smem:$0x3FB3] =	sst s7  }
0x10: {  	[smem:$0x3FB4] =	sst s8  }
0x11: {  	[smem:$0x3FB5] =	sst s9;
	s0 =	simm.s32 @!p0 $0x0  }
0x12: {  	s1 =	sld [smem:$0x3F9B];
	s0 =	simm.s32 @p0 $0x1  }
0x13: {  	[smem:$0x3FB6] =	sst s0;
	s0 =	simm.s32 @!p1 $0x0  }
0x14: {  	s2 =	sld [smem:$0x3F9A];
	s0 =	simm.s32 @p1 $0x1  }
0x15: {  	[smem:$0x3FB7] =	sst s0;
	s0 =	simm.s32 @!p2 $0x0  }
0x16: {  	s3 =	sld [smem:$0x3FDB];
	s0 =	simm.s32 @p2 $0x1  }
0x17: {  	s4 =	simm.s32 $0x1BF5;
	[smem:$0x3FB9] =	sst s0  }
0x18: {  	s0 =	sld [smem:$0x3F9C];
	_ =	swait.ge [sflag:s4], $0x0  }
0x19: {  	s7 =	sld [smem:$0x3F9D]  }
0x1a: {  	s8 =	sadd.s32 $0xFFFFE003, lr  }
0x1b: {  	s9 =	sadd.s32 $0xFFFFFEF7, lr;
	s5 =	simm.s32 $0xFFFFFFFF;
	p2 =	slt.u32 s8, $0xFFFFF086  }
0x1c: {  	p1 =	slt.u32 s9, $0xF7A;
	s5 =	simm.s32 @!p2 $0x0  }
0x1d: {  	s5 =	simm.s32 @p1 $0x1;
	p0 =	seq.s32 s7, s2  }
0x1e: {  	s7 =	smul.u32 @!p0 $0xF7A, s2;
	p2 =	seq.s32 @!p0 s5, $0x0  }
0x1f: {  	s9 =	smul.u32 $0xF7A, s1;
	s8 =	simm.s32 @!p0 $0x1BF5;
	p2 =	por !p2, p0  }
0x20: {  	[sflag:s8] =	ssyncset.s32 @!p0 $0xFFFFF086;
	s6 =	sadd.s32 @!p0 s3, s7;
	s7 =	simm.s32 @!p0 $0x108  }
0x21: {  	s3 =	sadd.s32 s3, s9;
	s6 =	sadd.s32 @!p0 $0x88, s6;
	s7 =	simm.s32 @p2 $0x1082  }
0x22: {  	[simem:s7], [sflag:s8] =	dma.local @!p0 [hbm:s6], $0xF7A  }
0x23: {  	s9 =	sor.u32 $0xD0000000, s2;
	s6 =	simm.s32 $0x108;
	_ =	swait.ge @!p0 [sflag:s8], $0x0  }
0x24: {  	s3 =	sadd.s32 $0x88, s3;
	s6 =	simm.s32 @!p1 $0x1082;
	[sflag:s4] =	ssyncset.s32 $0xFFFFF086  }
0x25: {  	[simem:s6], [sflag:s4] =	dma.local [hbm:s3], $0xF7A  }
0x26: {  	[smem:$0x3F9D] =	sst s1;
	(tag) =	ssettag s2;
	_ =	strace s9  }
0x27: {  	s1 =	sld [smem:$0x3FAD]  }
0x28: {  	s2 =	sld [smem:$0x3FAE]  }
0x29: {  	s4 =	sld [smem:$0x3FB0]  }
0x2a: {  	p0 =	seq.s32 s5, $0x0;
	s5 =	sld [smem:$0x3FB1]  }
0x2b: {  	s6 =	sld [smem:$0x3FB2]  }
0x2c: {  	s7 =	sld [smem:$0x3FB3]  }
0x2d: {  	s3 =	simm.s32 $0x108;
	s8 =	sld [smem:$0x3FB4]  }
0x2e: {  	s3 =	simm.s32 @!p0 $0x1082;
	s9 =	sld [smem:$0x3FB5]  }
0x2f: {  	lr =	sadd.s32 s0, s3;
	s0 =	sld [smem:$0x3FAC]  }
0x30: {  	s3 =	sld [smem:$0x3FAF]  }
0x31: {  	[smem:$0x3FB8] =	sst s10  }
0x32: {  	s10 =	sld [smem:$0x3FB6];
	_ =	sdelay $0x3  }
0x33: {  	p0 =	seq.s32 s10, $0x1;
	s10 =	sld [smem:$0x3FB8];
	_ =	sdelay $0x3  }
0x34: {  	[smem:$0x3FB8] =	sst s10  }
0x35: {  	s10 =	sld [smem:$0x3FB7];
	_ =	sdelay $0x3  }
0x36: {  	p1 =	seq.s32 s10, $0x1;
	s10 =	sld [smem:$0x3FB8];
	_ =	sdelay $0x3  }
0x37: {  	[smem:$0x3FB8] =	sst s10  }
0x38: {  	s10 =	sld [smem:$0x3FB9]  }
0x39: {  	_ = 	snop;
	(pc) =	sbr.ind lr, $3  }
0x3a: {  	_ = 	snop  }
0x3b: {  	_ = 	snop  }
0x3c: {  	p2 =	seq.s32 s10, $0x1;
	s10 =	sld [smem:$0x3FB8]  }
0x3d: {  	_ =	shalt  }
0x3e: {  	_ =	shalt  }
0x3f: {  	_ =	shalt  }
0x40: {  	_ =	shalt  }
0x41: {  	_ =	shalt  }
0x42: {  	_ =	shalt  }
0x43: {  	_ =	shalt  }
0x44: {  	_ =	shalt  }
0x45: {  	_ =	shalt  }
0x46: {  	_ =	shalt  }
0x47: {  	_ =	shalt  }
0x48: {  	_ =	shalt  }
0x49: {  	_ =	shalt  }
0x4a: {  	_ =	shalt  }
0x4b: {  	_ =	shalt  }
0x4c: {  	_ =	shalt  }
0x4d: {  	_ =	shalt  }
0x4e: {  	_ =	shalt  }
0x4f: {  	_ =	shalt  }
0x50: {  	_ =	shalt  }
0x51: {  	_ =	shalt  }
0x52: {  	_ =	shalt  }
0x53: {  	_ =	shalt  }
0x54: {  	_ =	shalt  }
0x55: {  	_ =	shalt  }
0x56: {  	_ =	shalt  }
0x57: {  	_ =	shalt  }
0x58: {  	_ =	shalt  }
0x59: {  	_ =	shalt  }
0x5a: {  	_ =	shalt  }
0x5b: {  	_ =	shalt  }
0x5c: {  	_ =	shalt  }
0x5d: {  	_ =	shalt  }
0x5e: {  	_ =	shalt  }
0x5f: {  	_ =	shalt  }
0x60: {  	_ =	shalt  }
0x61: {  	_ =	shalt  }
0x62: {  	_ =	shalt  }
0x63: {  	_ =	shalt  }
0x64: {  	_ =	shalt  }
0x65: {  	_ =	shalt  }
0x66: {  	_ =	shalt  }
0x67: {  	_ =	shalt  }
0x68: {  	_ =	shalt  }
0x69: {  	_ =	shalt  }
0x6a: {  	_ =	shalt  }
0x6b: {  	_ =	shalt  }
0x6c: {  	_ =	shalt  }
0x6d: {  	_ =	shalt  }
0x6e: {  	_ =	shalt  }
0x6f: {  	_ =	shalt  }
0x70: {  	_ =	shalt  }
0x71: {  	_ =	shalt  }
0x72: {  	_ =	shalt  }
0x73: {  	_ =	shalt  }
0x74: {  	_ =	shalt  }
0x75: {  	_ =	shalt  }
0x76: {  	_ =	shalt  }
0x77: {  	_ =	shalt  }
0x78: {  	_ =	shalt  }
0x79: {  	_ =	shalt  }
0x7a: {  	_ =	shalt  }
0x7b: {  	_ =	shalt  }
0x7c: {  	_ =	shalt  }
0x7d: {  	_ =	shalt  }
0x7e: {  	_ =	shalt  }
0x7f: {  	_ =	shalt  }
0x80: {  	_ =	shalt  }
0x81: {  	_ =	shalt  }
0x82: {  	_ =	shalt  }
0x83: {  	_ =	shalt  }
0x84: {  	_ =	shalt  }
0x85: {  	_ =	shalt  }
0x86: {  	_ =	shalt  }
0x87: {  	_ =	shalt  }
.Lfunc_end0:
.L_simem_size_0:
called_computation_lowered:
.L_overlay_start_0:
0x88: {  	s2 =	sld [smem:$0x3FD9]  }
0x89: {  	s3 =	sld [smem:$0x3FFE];
	_ =	sdelay $0x1  }
0x8a: {  	s1 =	srdreg.scid  }
0x8b: {  	s0 =	sand.u32 $0x1, s1  }
0x8c: {  	s16 =	sshll.u32 s0, $0xA;
	s2 =	sadd.s32 s3, s2  }
0x8d: {  	s2 =	sadd.s32 s2, s16  }
0x8e: {  	[smem:$0x3FC4] =	sst s2  }
0x8f: {  	_ = 	snop  }
0x90: {  	(tm) =	ssettm $0x1  }
0x91: {  	s17 =	sld [smem:$0x3FFB];
	_ =	sdelay $0x3  }
0x92: {  	_ =	strace s17  }
0x93: {  	s2 =	sld [smem:$0x3FFC];
	_ =	sdelay $0x3  }
0x94: {  	_ =	strace s2  }
0x95: {  	s2 =	sld [smem:$0x3FFD];
	_ =	sdelay $0x3  }
0x96: {  	_ =	strace s2  }
0x97: {  	_ =	strace $0x8FFFFFFF  }
0x98: {  	s18 =	sld [smem:$0x3FDB];
	_ =	sdelay $0x1  }
0x99: {  	s19 =	simm.s32 $_scs_section_size  }
0x9a: {  	s4 =	simm.s32 $_size__tile_overlayer_lowered;
	s5 =	simm.s32 $_tile_overlayer_lowered  }
0x9b: {  	s22 =	simm.s32 $0x1BFF;
	s21 =	sshll.u32 s5, $0x1;
	s2 =	sadd.s32 s19, s18  }
0x9c: {  	s6 =	simm.s32 $0x0;
	s20 =	sshll.u32 s4, $0x1;
	s4 =	sadd.s32 s21, s2  }
0x9d: {  	[timem:s6], [sflag:s22] =	dma.local [hbm:s4], s20  }
0x9e: {  	_ =	swait.ge [sflag:s22], s20  }
0x9f: {  	s3 =	ssub.s32 $0x0, s20;
	[sflag:s22] =	ssyncset.done $0x0  }
0xa0: {  	[sflag:s22] =	ssyncadd.s32 s3;
	_ =	sdelay $0x1  }
0xa1: {  	s23 =	simm.s32 $0x1B8B  }
0xa2: {  	_ =	swait.ge [sflag:s23], $0x1  }
0xa3: {  	[sflag:s23] =	ssyncset.done $0x0  }
0xa4: {  	s25 =	simm.s32 $0x1B8E;
	s24 =	sld [smem:$0x3FFE];
	[sflag:s23] =	ssyncadd.s32 $0xFFFFFFFF  }
0xa5: {  	s26 =	simm.s32 $execute0_lowered;
	[smem:$0x3FD2] =	sst s25  }
0xa6: {  	s4 =	sshll.u32 s26, $0x1;
	_ =	strace $0x80000046;
	[dreg:$0x1] =	wrdreg $0xFFFFFFFF  }
0xa7: {  	s28 =	simm.s32 $_size_execute0_lowered;
	s2 =	sadd.s32 s2, s4;
	[dreg:$0x0] =	wrdreg $0x0  }
0xa8: {  	s4 =	sshll.u32 s28, $0x1;
	[dreg:$0x2] =	wrdreg s2  }
0xa9: {  	[dreg:$0x3] =	wrdreg s4  }
0xaa: {  	[dreg:$0x4] =	wrdreg $0xC0  }
0xab: {  	_ =	task [dreg:s6], $0x5FFFF  }
0xac: {  	[dreg:$0x1] =	wrdreg $0xFFFFFFFF  }
0xad: {  	[dreg:$0x0] =	wrdreg $0x60  }
0xae: {  	[dreg:$0x2] =	wrdreg s24  }
0xaf: {  	[dreg:$0x3] =	wrdreg $0x9  }
0xb0: {  	_ =	task.clear_ibuf [dreg:s6], $0x4FFFF;
	_ =	strace $0x90000046  }
0xb1: {  	s29 =	simm.s32 $0x9;
	_ =	strace $0x80000048  }
0xb2: {  	_ =	swait.ge [sflag:s29], $0x1  }
0xb3: {  	[sflag:s29] =	ssyncadd.s32 $0xFFFFFFFF  }
0xb4: {  	_ =	strace $0x90000048  }
0xb5: {  	_ =	sfence  }
0xb6: {  	s30 =	sld [smem:$0x0];
	_ =	sdelay $0x2  }
0xb7: {  	s31 =	sshll.u32 s1, $0xD;
	s1 =	sshrl.u32 s1, $0x2  }
0xb8: {  	s3 =	sand.u32 $0x4000, s31;
	s1 =	sadd.s32 s1, s30  }
0xb9: {  	s0 =	sor.u32 s3, s0;
	s1 =	sshll.u32 s1, $0x11  }
0xba: {  	s0 =	sor.u32 s1, s0  }
0xbb: {  	s0 =	sadd.s32 $0x8F2B, s0  }
0xbc: {  	[sflag:s0] =	ssyncadd.remote.s32 $0x1  }
0xbd: {  	_ =	sfence.sel $0xFFFF  }
0xbe: {  	[dreg:$0x0] =	wrdreg $0xFFFFFFFF;
	(pc) =	sbr.abs _section_cstart, $3  }
0xbf: {  	[dreg:$0x1] =	wrdreg $0xFFFFFFFF  }
0xc0: {  	_ =	task.clear_ibuf [dreg:s6], $0x2FFFF;
	_ =	strace $0x9FFFFFFF  }
0xc1: {  	(tm) =	ssettm $0x7FFFFFFF  }
tec
execute0_lowered:
.L_overlay_start_1:
0x0: {  	(tag) =	ssettag $0x1  }
0x1: {  	s0 =	srdreg.scid;
	s9 =	stileid.u32  }
0x2: {  	s1 =	rddreg [dreg:$0x0];
	s2 =	simm.s32 $0x0;
	s4 =	simm.s32 $0x1  }
0x3: {  	s10 =	simm.s32 $0x3;
	s13 =	simm.s32 $0x80;
	s14 =	simm.s32 $0x480  }
0x4: {  	s15 =	simm.s32 $0x100;
	s16 =	simm.s32 $0x500;
	s17 =	simm.s32 $0x180  }
0x5: {  	s18 =	simm.s32 $0x580;
	s19 =	simm.s32 $0x200;
	s20 =	simm.s32 $0x600  }
0x6: {  	s21 =	simm.s32 $0x280;
	s22 =	simm.s32 $0x680;
	s23 =	simm.s32 $0x300  }
0x7: {  	s24 =	simm.s32 $0x700;
	s25 =	simm.s32 $0x380;
	s28 =	simm.s32 $0x400  }
0x8: {  	s29 =	simm.s32 $0x800;
	s0 =	sand.u32 $0x1, s0;
	s3 =	sshll.u32 s9, $0x1  }
0x9: {  	s30 =	simm.s32 $0x2;
	s31 =	simm.s32 $0x1080;
	s5 =	sor.u32 s0, s3  }
0xa: {  	[smem:$0x7FF] =	sst s2;
	p1 =	seq.s32 s0, $0x1;
	p0 =	seq.s32 s5, $0x0  }
0xb: {  	_ =	strace $0x80000047;
	s3 =	sadd.s32 $0x2200, s1;
	p0 =	por !p0, !p1  }
0xc: {  	v5 =	vlaneseq.u32;
	s0 =	ssub.s32 $0x2, s0;
	s6 =	sshll.u32 s5, $0x7;
	p0 =	por !p0, !p0  }
0xd: {  	vm0 =	vmmov $0xff;
	v0 =	vand.u32 $0x7, v5;
	s7 =	sshrl.u32 s0, $0x1;
	s5 =	sshll.u32 s5, $0x4;
	s4 =	simm.s32 @!p0 $0x0  }
0xe: {  	v9 =	vmul.u32 $0xFFFFFFFF, v5;
	v1 =	vmul.u32 $0x9000, v0;
	v0 =	vshrl.u32 v5, $0x3;
	s8 =	sadd.s32 s6, s1;
	s0 =	ssub.s32 s0, s7;
	s26 =	ssub.s32 s9, s4  }
0xf: {  	v2 =	vor.u32 $0x2, v0;
	v3 =	vor.u32 $0x4, v0;
	v4 =	vor.u32 $0x6, v0;
	s5 =	sadd.s32 s1, s5;
	s1 =	simm.s32 $0x0;
	s11 =	smul.u32 $0x48000, s26  }
0x10: {  	v5 =	vor.u32 $0x8, v0;
	v6 =	vor.u32 $0xA, v0;
	v7 =	vor.u32 $0xC, v0;
	s6 =	sadd.s32 $0x1200, s8;
	s7 =	sadd.s32 $0x200, s8;
	s8 =	sadd.s32 $0x92200, s5  }
0x11: {  	v8 =	vor.u32 $0xE, v0;
	v9 =	vadd.s32 $0xF, v9;
	s4 =	simm.s32 $0x1;
	s9 =	smax.u32 s0, $0x1;
	s26 =	simm.s32 $0x780;
	v1 =	vadd.s32 s11, v1  }
.LBB2_1:
0x12: {  	[tilespmem:s2], [sflag:$0x3] =	stream.linear.gather [hbm4b:s5+s2], $0x80, $0x38;
	[tilespmem:$0x1100] =	vst v63  }
0x13: {  	_ =	swait.ge [sflag:s10], $0x80  }
0x14: {  	[sflag:s10] =	ssyncset.done $0x0  }
0x15: {  	s0 =	simm.s32 $0x880;
	[sflag:s10] =	ssyncadd.s32 $0xFFFFFF80  }
0x16: {  	[tilespmem:s0], [sflag:$0x2] =	stream.linear.gather [hbm4b:s6+s2], $0x400, $0x38;
	[tilespmem:$0x1100] =	vst v63  }
0x17: {  	s11 =	simm.s32 $0xC80;
	s12 =	simm.s32 $0x0  }
0x18: {  	[tilespmem:s11], [sflag:$0x2] =	stream.linear.gather [hbm4b:s7+s2], $0x400, $0x38;
	[tilespmem:$0x1100] =	vst v63  }
0x19: {  	v10 =	vld [tilespmem:s12+$0x0];
	_ =	sdelay $0x4  }
0x1a: {  	v11 =	vperm.xlane v10, v0  }
0x1b: {  	v12 =	vperm.xlane v10, v2  }
0x1c: {  	s0 =	simm.s32 $0xC0;
	v13 =	vperm.xlane v10, v3;
	v11 =	vadd.s32 v1, v11  }
0x1d: {  	v14 =	vperm.xlane v10, v4;
	v12 =	vadd.s32 v1, v12;
	[tilespmem:s0+$0xFFFFFFC0] =	vst v11  }
0x1e: {  	v61 =	vperm.xlane v10, v6;
	v13 =	vadd.s32 v1, v13;
	[tilespmem:s0+$0xFFFFFFD0] =	vst v12  }
0x1f: {  	v60 =	vadd.s32 v1, v14;
	v11 =	vperm.xlane v10, v5;
	[tilespmem:s0+$0xFFFFFFE0] =	vst v13  }
0x20: {  	v62 =	vperm.xlane v10, v7;
	v63 =	vadd.s32 v1, v61;
	[tilespmem:s0+$0xFFFFFFF0] =	vst v60;
	v10 =	vperm.xlane v10, v8  }
0x21: {  	[tilespmem:s0+$0x10] =	vst v63;
	v11 =	vadd.s32 v1, v11  }
0x22: {  	v10 =	vadd.s32 v1, v10;
	[tilespmem:s0+$0x0] =	vst v11  }
0x23: {  	v11 =	vadd.s32 v1, v62;
	[tilespmem:s0+$0x30] =	vst v10  }
0x24: {  	s11 =	simm.s32 $0x80;
	s12 =	simm.s32 $0x10;
	[tilespmem:s0+$0x20] =	vst v11  }
.LBB2_2:
0x25: {  	p0 =	sne.s32 s11, $0x1C0;
	v10 =	vld [tilespmem:s12+$0x0];
	_ =	sdelay $0x4  }
0x26: {  	v11 =	vperm.xlane v10, v0;
	v12 =	vperm.xlane v10, v2  }
0x27: {  	v13 =	vperm.xlane v10, v3;
	v14 =	vperm.xlane v10, v4  }
0x28: {  	s0 =	sadd.s32 $0x80, s0;
	v15 =	vperm.xlane v10, v5;
	v11 =	vadd.s32 v1, v11;
	v12 =	vadd.s32 v1, v12  }
0x29: {  	[tilespmem:s0+$0xFFFFFFC0] =	vst v11;
	v11 =	vadd.s32 v1, v13;
	v13 =	vadd.s32 v1, v14;
	v14 =	vperm.xlane v10, v6  }
0x2a: {  	[tilespmem:s0+$0xFFFFFFD0] =	vst v12;
	v12 =	vadd.s32 v1, v15;
	v15 =	vperm.xlane v10, v7;
	v10 =	vperm.xlane v10, v8  }
0x2b: {  	[tilespmem:s0+$0xFFFFFFE0] =	vst v11;
	v11 =	vadd.s32 v1, v14  }
.Ltmp0:
0x2c: {  	[tilespmem:s0+$0xFFFFFFF0] =	vst v13;
	v13 =	vadd.s32 v1, v15;
	v10 =	vadd.s32 v1, v10;
	(pc) =	sbr.rel @p0 .LBB2_2-.Ltmp0, $4  }
0x2d: {  	[tilespmem:s0+$0x0] =	vst v12  }
0x2e: {  	[tilespmem:s0+$0x10] =	vst v11  }
0x2f: {  	[tilespmem:s0+$0x20] =	vst v13  }
0x30: {  	s12 =	sshra.s32 s11, $0x2;
	s11 =	sadd.s32 $0x40, s11;
	[tilespmem:s0+$0x30] =	vst v10  }
0x31: {  	v10 =	vld [tilespmem:s12+$0x0];
	_ =	sdelay $0x4  }
0x32: {  	v11 =	vperm.xlane v10, v0  }
0x33: {  	v12 =	vperm.xlane v10, v2  }
0x34: {  	s0 =	sadd.s32 $0x80, s0;
	v13 =	vperm.xlane v10, v3;
	v11 =	vadd.s32 v1, v11  }
0x35: {  	v14 =	vperm.xlane v10, v4;
	v12 =	vadd.s32 v1, v12;
	[tilespmem:s0+$0xFFFFFFC0] =	vst v11  }
0x36: {  	v13 =	vadd.s32 v1, v13;
	v11 =	vperm.xlane v10, v5;
	[tilespmem:s0+$0xFFFFFFD0] =	vst v12  }
0x37: {  	v12 =	vadd.s32 v1, v14;
	v14 =	vperm.xlane v10, v6;
	[tilespmem:s0+$0xFFFFFFE0] =	vst v13  }
0x38: {  	v13 =	vperm.xlane v10, v7;
	v10 =	vperm.xlane v10, v8;
	[tilespmem:s0+$0xFFFFFFF0] =	vst v12;
	v11 =	vadd.s32 v1, v11  }
0x39: {  	v12 =	vadd.s32 v1, v14;
	[tilespmem:s0+$0x0] =	vst v11  }
0x3a: {  	v10 =	vadd.s32 v1, v10;
	[tilespmem:s0+$0x10] =	vst v12  }
0x3b: {  	v11 =	vadd.s32 v1, v13;
	[tilespmem:s0+$0x30] =	vst v10  }
0x3c: {  	[tilespmem:s0+$0x20] =	vst v11  }
0x3d: {  	[tilespmem:s14], [sflag:$0x1] =	stream.indirect.gather [hbm4b:s3+s13], $0x1, s13, s13, $0xb8;
	[tilespmem:$0x1100] =	vst v63  }
0x3e: {  	_ = 	snop  }
0x3f: {  	[tilespmem:s16], [sflag:$0x1] =	stream.indirect.gather [hbm4b:s3+s13], $0x1, s15, s13, $0xb8;
	[tilespmem:$0x1100] =	vst v63  }
0x40: {  	_ = 	snop  }
0x41: {  	[tilespmem:s18], [sflag:$0x1] =	stream.indirect.gather [hbm4b:s3+s13], $0x1, s17, s13, $0xb8;
	[tilespmem:$0x1100] =	vst v63  }
0x42: {  	_ = 	snop  }
0x43: {  	[tilespmem:s20], [sflag:$0x1] =	stream.indirect.gather [hbm4b:s3+s13], $0x1, s19, s13, $0xb8;
	[tilespmem:$0x1100] =	vst v63  }
0x44: {  	_ = 	snop  }
0x45: {  	[tilespmem:s22], [sflag:$0x1] =	stream.indirect.gather [hbm4b:s3+s13], $0x1, s21, s13, $0xb8;
	[tilespmem:$0x1100] =	vst v63  }
0x46: {  	_ = 	snop  }
0x47: {  	[tilespmem:s24], [sflag:$0x1] =	stream.indirect.gather [hbm4b:s3+s13], $0x1, s23, s13, $0xb8;
	[tilespmem:$0x1100] =	vst v63  }
0x48: {  	_ = 	snop  }
0x49: {  	[tilespmem:s26], [sflag:$0x1] =	stream.indirect.gather [hbm4b:s3+s13], $0x1, s25, s13, $0xb8;
	[tilespmem:$0x1100] =	vst v63  }
0x4a: {  	_ = 	snop  }
0x4b: {  	[tilespmem:s29], [sflag:$0x1] =	stream.indirect.gather [hbm4b:s3+s13], $0x1, s28, s13, $0xb8;
	[tilespmem:$0x1100] =	vst v63  }
0x4c: {  	_ =	swait.ge [sflag:s4], $0x80  }
0x4d: {  	[sflag:s4] =	ssyncset.done $0x0  }
0x4e: {  	[sflag:s4] =	ssyncadd.s32 $0xFFFFFF80  }
0x4f: {  	_ =	swait.ge [sflag:s4], $0x80  }
0x50: {  	[sflag:s4] =	ssyncset.done $0x0  }
0x51: {  	[sflag:s4] =	ssyncadd.s32 $0xFFFFFF80  }
0x52: {  	_ =	swait.ge [sflag:s4], $0x80  }
0x53: {  	[sflag:s4] =	ssyncset.done $0x0  }
0x54: {  	[sflag:s4] =	ssyncadd.s32 $0xFFFFFF80  }
0x55: {  	_ =	swait.ge [sflag:s4], $0x80  }
0x56: {  	[sflag:s4] =	ssyncset.done $0x0  }
0x57: {  	[sflag:s4] =	ssyncadd.s32 $0xFFFFFF80  }
0x58: {  	_ =	swait.ge [sflag:s4], $0x80  }
0x59: {  	[sflag:s4] =	ssyncset.done $0x0  }
0x5a: {  	[sflag:s4] =	ssyncadd.s32 $0xFFFFFF80  }
0x5b: {  	_ =	swait.ge [sflag:s4], $0x80  }
0x5c: {  	[sflag:s4] =	ssyncset.done $0x0  }
0x5d: {  	[sflag:s4] =	ssyncadd.s32 $0xFFFFFF80  }
0x5e: {  	_ =	swait.ge [sflag:s4], $0x80  }
0x5f: {  	[sflag:s4] =	ssyncset.done $0x0  }
0x60: {  	[sflag:s4] =	ssyncadd.s32 $0xFFFFFF80  }
0x61: {  	_ =	swait.ge [sflag:s4], $0x80  }
0x62: {  	[sflag:s4] =	ssyncset.done $0x0  }
0x63: {  	[sflag:s4] =	ssyncadd.s32 $0xFFFFFF80  }
0x64: {  	_ =	swait.ge [sflag:s30], $0x400  }
0x65: {  	[sflag:s30] =	ssyncset.done $0x0  }
0x66: {  	[sflag:s30] =	ssyncadd.s32 $0xFFFFFC00  }
0x67: {  	_ =	swait.ge [sflag:s30], $0x400  }
0x68: {  	[sflag:s30] =	ssyncset.done $0x0  }
0x69: {  	s12 =	simm.s32 $0x0;
	[sflag:s30] =	ssyncadd.s32 $0xFFFFFC00  }
0x6a: {  	v10 =	vld [tilespmem:s12+$0xC80]  }
0x6b: {  	v11 =	vld [tilespmem:s12+$0x480]  }
0x6c: {  	v13 =	vld [tilespmem:s12+$0x880];
	_ =	sdelay $0x2  }
0x6d: {  	s11 =	simm.s32 $0x10;
	v14 =	vcvt.s32.f32 v10  }
0x6e: {  	v12 =	vld [tilespmem:s11+$0xC80]  }
0x6f: {  	v10 =	vimm.f32 $0.0e+00;
	v15 =	vmul.f32 v14, v11;
	v16 =	vmul.f32 v14, v13;
	v13 =	vld [tilespmem:s11+$0x480]  }
0x70: {  	v11 =	vadd.f32 v14, v10;
	v14 =	vld [tilespmem:s11+$0x880]  }
0x71: {  	s0 =	simm.s32 $0x80;
	v15 =	vsub.f32 v15, v16  }
.LBB2_4:
0x72: {  	p0 =	sne.s32 s0, $0xFC0  }
.Ltmp1:
0x73: {  	s11 =	sshra.s32 s0, $0x2;
	s0 =	sadd.s32 $0x40, s0;
	v16 =	vcvt.s32.f32 v12;
	v15 =	vand.u32 $0x7FFFFFFF, v15;
	(pc) =	sbr.rel @p0 .LBB2_4-.Ltmp1, $4  }
0x74: {  	v12 =	vld [tilespmem:s11+$0xC80];
	v10 =	vadd.f32 v15, v10  }
0x75: {  	v15 =	vmul.f32 v16, v13;
	v13 =	vld [tilespmem:s11+$0x480];
	v17 =	vmul.f32 v16, v14;
	v11 =	vadd.f32 v16, v11  }
0x76: {  	v14 =	vld [tilespmem:s11+$0x880]  }
0x77: {  	v15 =	vsub.f32 v15, v17  }
0x78: {  	_ = 	snop  }
0x79: {  	v12 =	vcvt.s32.f32 v12;
	_ =	sdelay $0x1  }
0x7a: {  	v13 =	vmul.f32 v12, v13;
	v14 =	vmul.f32 v12, v14;
	_ =	sdelay $0x1  }
0x7b: {  	v15 =	vand.u32 $0x7FFFFFFF, v15;
	v13 =	vsub.f32 v13, v14  }
0x7c: {  	v10 =	vadd.f32 v15, v10  }
0x7d: {  	v13 =	vand.u32 $0x7FFFFFFF, v13  }
0x7e: {  	v11 =	vadd.f32 v12, v11;
	v10 =	vadd.f32 v13, v10;
	_ =	sdelay $0x1  }
0x7f: {  	v63 =	vperm.xlane v11, v9;
	v62 =	vperm.xlane v10, v9;
	_ =	sdelay $0x1  }
0x80: {  	v11 =	vadd.f32 v63, v11;
	v10 =	vadd.f32 v62, v10  }
0x81: {  	s1 =	sadd.s32 $0x1, s1  }
0x82: {  	p0 =	sne.s32 s1, s9;
	v10 =	vsel vm0, v10, v11  }
.Ltmp2:
0x83: {  	[tilespmem:$0x1080] =	vst v10;
	(pc) =	sbr.rel @p0 .LBB2_1-.Ltmp2, $4  }
0x84: {  	[hbm4b:s8+s2] =	stream.linear.scatter [tilespmem:s31], [sflag:$0x3], $0x80, $0x38;
	[tilespmem:$0x1100] =	vst v63  }
0x85: {  	_ =	swait.ge [sflag:s10], $0x80  }
0x86: {  	[sflag:s10] =	ssyncset.done $0x0  }
0x87: {  	[sflag:s10] =	ssyncadd.s32 $0xFFFFFF80  }
0x88: {  	_ =	sfence.sel $0x180000  }
0x89: {  	[bflag:$0x0] =	sbarrier.arrive $0xFFFF  }
0x8a: {  	_ =	strace $0x90000047  }
0x8b: {  	s0 =	stileid.u32;
	[bflag:$0x2] =	sbarrier.arrive $0xFFFF  }
0x8c: {  	p0 =	sne.s32 s0, $0x0;
	s0 =	rddreg [dreg:$0x1]  }
0x8d: {  	s0 =	sadd.s32 @!p0 $0x100000, s0  }
0x8e: {  	[sflag:s0] =	ssyncadd.tile.s32 @!p0 $0x1;
	_ =	shalt  }
.Lfunc_end2:
_tile_overlayer_lowered:
.L_overlay_start_2:
0x8f: {  	(tag) =	ssettag $0x2  }
0x90: {  	s0 =	rddreg [dreg:$0x0];
	s2 =	stileid.u32  }
0x91: {  	s1 =	rddreg [dreg:$0x1];
	p0 =	sne.s32 s2, $0x0  }
0x92: {  	s3 =	rddreg [dreg:$0x2];
	[bflag:$0x3] =	sbarrier.arrive $0xFFFF;
	s2 =	simm.s32 @!p0 $0x1C03  }
0x93: {  	[timem:s3], [sflag:s2] =	dma.local @!p0 [hbm:s0], s1  }
0x94: {  	s0 =	simm.s32 @!p0 $0x3  }
0x95: {  	_ =	swait.ge @!p0 [sflag:s0], s1  }
0x96: {  	s1 =	ssub.s32 @!p0 $0x0, s1;
	[sflag:s0] =	ssyncset.done @!p0 $0x0  }
0x97: {  	[sflag:s0] =	ssyncadd.s32 @!p0 s1  }
0x98: {  	[bflag:$0x3] =	sbarrier.arrive $0xFFFF  }
0x99: {  	_ =	shalt  }

</sc_bundles>
